<compile_context>
chip_gen: v7x
topology: tpu7x:2x2x1
jax: 0.10.2.dev20260603
libtpu: 0.0.44.dev20260713+nightly
codegen_flags: <defaults>
</compile_context>

<pallas_src>
import functools

import jax
import jax.numpy as jnp
from jax import lax
from jax.experimental import pallas as pl
from jax.experimental.pallas import tpu as pltpu
from jax.experimental.pallas import tpu_sc as plsc

N_TOKENS = 8192
K_CODES = 8192
D = 64
TB = 256


def _prep_body(x_ref, cb_ref, cbb_ref, csq_ref, idsf_ref, xsq_ref, xb_ref):
    cb = cb_ref[...]
    cbb_ref[...] = cb.astype(jnp.bfloat16)
    csq_ref[...] = jnp.sum(cb * cb, axis=1, keepdims=True)
    ids = lax.broadcasted_iota(jnp.int32, (K_CODES, 1), 0)
    idsf_ref[...] = ids.astype(jnp.float32)
    x = x_ref[...]
    xsq_ref[...] = jnp.sum(x * x, axis=1)[None, :]
    xb_ref[...] = x.astype(jnp.bfloat16)


def _argmin_body(xb_ref, xsq_ref, cbb_ref, csq_ref, idsf_ref, idx_ref):
    xb = xb_ref[...]
    dot = lax.dot_general(cbb_ref[...], xb, (((1,), (1,)), ((), ())),
                          preferred_element_type=jnp.float32)
    dist = (xsq_ref[...] - 2.0 * dot) + csq_ref[...]
    minv = jnp.min(dist, axis=0, keepdims=True)
    masked = jnp.where(dist == minv, idsf_ref[...], float(K_CODES))
    idx_ref[0, 0, :] = jnp.min(masked, axis=0).astype(jnp.int32)


def _tc_argmin(xf, codebook):
    n_blocks = N_TOKENS // TB
    cbb, csq, idsf, xsq, xb = pl.pallas_call(
        _prep_body,
        grid=(1,),
        in_specs=[
            pl.BlockSpec((N_TOKENS, D), lambda i: (0, 0)),
            pl.BlockSpec((K_CODES, D), lambda i: (0, 0)),
        ],
        out_specs=[
            pl.BlockSpec((K_CODES, D), lambda i: (0, 0)),
            pl.BlockSpec((K_CODES, 1), lambda i: (0, 0)),
            pl.BlockSpec((K_CODES, 1), lambda i: (0, 0)),
            pl.BlockSpec((1, N_TOKENS), lambda i: (0, 0)),
            pl.BlockSpec((N_TOKENS, D), lambda i: (0, 0)),
        ],
        out_shape=[
            jax.ShapeDtypeStruct((K_CODES, D), jnp.bfloat16),
            jax.ShapeDtypeStruct((K_CODES, 1), jnp.float32),
            jax.ShapeDtypeStruct((K_CODES, 1), jnp.float32),
            jax.ShapeDtypeStruct((1, N_TOKENS), jnp.float32),
            jax.ShapeDtypeStruct((N_TOKENS, D), jnp.bfloat16),
        ],
    )(xf, codebook)
    out = pl.pallas_call(
        _argmin_body,
        grid=(n_blocks,),
        in_specs=[
            pl.BlockSpec((TB, D), lambda i: (i, 0)),
            pl.BlockSpec((1, TB), lambda i: (0, i)),
            pl.BlockSpec((K_CODES, D), lambda i: (0, 0)),
            pl.BlockSpec((K_CODES, 1), lambda i: (0, 0)),
            pl.BlockSpec((K_CODES, 1), lambda i: (0, 0)),
        ],
        out_specs=pl.BlockSpec((1, 1, TB), lambda i: (i, 0, 0)),
        out_shape=jax.ShapeDtypeStruct((n_blocks, 1, TB), jnp.int32),
    )(xb, xsq, cbb, csq, idsf)
    return out.reshape(N_TOKENS)


def _sc_gather(codebook, idx):
    info = plsc.get_sparse_core_info()
    nc, ns = info.num_cores, info.num_subcores
    nw = nc * ns
    b_per_w = N_TOKENS // nw
    ch = b_per_w // 128
    idx3 = idx.reshape(nw, ch, 128)
    mesh = plsc.VectorSubcoreMesh(core_axis_name="c", subcore_axis_name="s")

    @functools.partial(
        pl.kernel,
        mesh=mesh,
        compiler_params=pltpu.CompilerParams(use_tc_tiling_on_sc=False),
        out_type=jax.ShapeDtypeStruct((N_TOKENS, D), jnp.float32),
        scratch_types=[
            pltpu.VMEM((ch, 128), jnp.int32),
            pltpu.VMEM((b_per_w, D), jnp.float32),
            pltpu.SemaphoreType.DMA,
        ],
    )
    def gather_k(cb_hbm, idx_hbm, out_hbm, idx_v, rows_v, sem):
        wid = lax.axis_index("s") * nc + lax.axis_index("c")
        pltpu.sync_copy(idx_hbm.at[wid], idx_v)
        copies = []
        for j in range(ch):
            copies.append(
                pltpu.async_copy(
                    cb_hbm.at[idx_v.at[j]],
                    rows_v.at[pl.ds(j * 128, 128), :],
                    sem,
                )
            )
        for c in copies:
            c.wait()
        pltpu.sync_copy(rows_v, out_hbm.at[pl.ds(wid * b_per_w, b_per_w), :])

    return gather_k(codebook, idx3)


def kernel(x, codebook):
    b, h, w, d = x.shape
    xf = x.reshape(b * h * w, d)
    idx = _tc_argmin(xf, codebook)
    vq = _sc_gather(codebook, idx)
    return vq.reshape(b, h, w, d)

# --- scband reference (transcript-rebuilt; emitter-appended) ---
"""Pipeline reference for scband-quant-layer-62500364091969 (READ-ONLY COPY).

The authoritative reference and input builder live on the scoring server;
editing this copy changes nothing except your own understanding.
"""

import jax, jax.numpy as jnp
import numpy as np


def setup_inputs(seed: int = 0) -> dict:
    key = jax.random.key(seed)
    k1, k2 = jax.random.split(key)
    x = jax.random.normal(k1, (8, 32, 32, 64), dtype=jnp.float32)
    codebook = jax.random.normal(k2, (8192, 64), dtype=jnp.float32) * 0.1
    return {"x": x, "codebook": codebook}


def reference(x, codebook):
    b, h, w, d = x.shape
    xf = jnp.reshape(x, (b * h * w, d))
    x_sq = jnp.sum(xf ** 2, axis=1, keepdims=True)
    codebook_sq = jnp.sum(codebook ** 2, axis=1)
    dot_product = jnp.dot(xf, codebook.T)
    dists = x_sq - 2 * dot_product + codebook_sq
    idx = jnp.argmin(dists, axis=1)
    vq = jnp.take(codebook, idx, axis=0)
    vq = jnp.reshape(vq, (b, h, w, d))
    return vq

if __name__ == "__main__":
    import jax
    _d = setup_inputs()
    print(jax.jit(kernel)(*tuple(_d.values())))

</pallas_src>

<mosaic_0001>
#map = affine_map<(d0, d1) -> (0, 0)>
#map1 = affine_map<(d0, d1) -> (0, 0, 0)>
module attributes {stable_mosaic.version = 14 : i64} {
  func.func @gather_k(%arg0: i32, %arg1: i32, %arg2: memref<8192x64xf32, #tpu.memory_space<hbm>>, %arg3: memref<32x2x128xi32, #tpu.memory_space<hbm>>, %arg4: memref<8192x64xf32, #tpu.memory_space<hbm>>, %arg5: memref<2x128xi32, #tpu.memory_space<vmem>>, %arg6: memref<256x64xf32, #tpu.memory_space<vmem>>, %arg7: memref<!tpu.dma_semaphore, #tpu.memory_space<semaphore_mem>>) attributes {dimension_semantics = [#tpu.dimension_semantics<core_parallel>, #tpu.dimension_semantics<subcore_parallel>], iteration_bounds = array<i64: 2, 16>, scalar_prefetch = 0 : i64, scratch_operands = 3 : i64, tpu.core_type = #tpu.core_type<sc_vector_subcore>, window_params = [{transform_indices = #map}, {transform_indices = #map1}, {transform_indices = #map}]} {
    %mul3A = arith.constant 2 : i32
    %mul3A_0 = arith.muli %arg1, %mul3A : i32
    %add3A = arith.addi %mul3A_0, %arg0 : i32
    "tpu.region"() ({
      %run_scoped3A = tpu.sem_alloc : memref<!tpu.dma_semaphore, #tpu.memory_space<semaphore_mem>>
      %dma_start3A_41 = arith.constant 0 : i32
      %dma_start3A_42 = arith.constant 0 : i32
      %dma_start3A_43 = tpu.memref_slice %arg3[%add3A, %dma_start3A_41, %dma_start3A_42] : memref<32x2x128xi32, #tpu.memory_space<hbm>> -> memref<1x2x128xi32, #tpu.memory_space<hbm>>
      %dma_start3A_44 = tpu.memref_squeeze %dma_start3A_43 : memref<1x2x128xi32, #tpu.memory_space<hbm>> -> memref<2x128xi32, #tpu.memory_space<hbm>>
      %dma_start3A_45 = arith.constant 0 : i32
      %dma_start3A_46 = arith.constant 0 : i32
      %dma_start3A_47 = tpu.memref_slice %arg3[%add3A, %dma_start3A_45, %dma_start3A_46] : memref<32x2x128xi32, #tpu.memory_space<hbm>> -> memref<1x2x128xi32, #tpu.memory_space<hbm>>
      %dma_start3A_48 = tpu.memref_squeeze %dma_start3A_47 : memref<1x2x128xi32, #tpu.memory_space<hbm>> -> memref<2x128xi32, #tpu.memory_space<hbm>>
      tpu.enqueue_dma source(%dma_start3A_48 : memref<2x128xi32, #tpu.memory_space<hbm>>) target(%arg5 : memref<2x128xi32, #tpu.memory_space<vmem>>) target_semaphore(%run_scoped3A : memref<!tpu.dma_semaphore, #tpu.memory_space<semaphore_mem>>)
      %dma_wait3A_49 = arith.constant 0 : i32
      %dma_wait3A_50 = arith.constant 0 : i32
      %dma_wait3A_51 = tpu.memref_slice %arg3[%add3A, %dma_wait3A_49, %dma_wait3A_50] : memref<32x2x128xi32, #tpu.memory_space<hbm>> -> memref<1x2x128xi32, #tpu.memory_space<hbm>>
      %dma_wait3A_52 = tpu.memref_squeeze %dma_wait3A_51 : memref<1x2x128xi32, #tpu.memory_space<hbm>> -> memref<2x128xi32, #tpu.memory_space<hbm>>
      %dma_wait3A_53 = arith.constant 0 : i32
      %dma_wait3A_54 = arith.constant 0 : i32
      %dma_wait3A_55 = tpu.memref_slice %arg3[%add3A, %dma_wait3A_53, %dma_wait3A_54] : memref<32x2x128xi32, #tpu.memory_space<hbm>> -> memref<1x2x128xi32, #tpu.memory_space<hbm>>
      %dma_wait3A_56 = tpu.memref_squeeze %dma_wait3A_55 : memref<1x2x128xi32, #tpu.memory_space<hbm>> -> memref<2x128xi32, #tpu.memory_space<hbm>>
      tpu.wait_dma2 semaphore(%run_scoped3A : memref<!tpu.dma_semaphore, #tpu.memory_space<semaphore_mem>>) src(%dma_wait3A_56 : memref<2x128xi32, #tpu.memory_space<hbm>>) dst(%arg5 : memref<2x128xi32, #tpu.memory_space<vmem>>)
      tpu.yield
    }) : () -> ()
    %dma_start3A = arith.constant 0 : i32
    %dma_start3A_1 = arith.constant 0 : i32
    %dma_start3A_2 = arith.constant 0 : i32
    %dma_start3A_3 = tpu.memref_slice %arg6[%dma_start3A_1, %dma_start3A_2] : memref<256x64xf32, #tpu.memory_space<vmem>> -> memref<128x64xf32, #tpu.memory_space<vmem>>
    %dma_start3A_4 = arith.constant 0 : i32
    %dma_start3A_5 = tpu.memref_slice %arg5[%dma_start3A, %dma_start3A_4] : memref<2x128xi32, #tpu.memory_space<vmem>> -> memref<1x128xi32, #tpu.memory_space<vmem>>
    %dma_start3A_6 = tpu.memref_squeeze %dma_start3A_5 : memref<1x128xi32, #tpu.memory_space<vmem>> -> memref<128xi32, #tpu.memory_space<vmem>>
    %dma_start3A_7 = arith.constant 0 : i32
    %dma_start3A_8 = arith.constant 0 : i32
    %dma_start3A_9 = tpu.memref_slice %arg2[%dma_start3A_7, %dma_start3A_8] : memref<8192x64xf32, #tpu.memory_space<hbm>> -> memref<8192x64xf32, #tpu.memory_space<hbm>>
    tpu.enqueue_indirect_dma source(%dma_start3A_9 : memref<8192x64xf32, #tpu.memory_space<hbm>>) target(%dma_start3A_3 : memref<128x64xf32, #tpu.memory_space<vmem>>) offsets(%dma_start3A_6 : memref<128xi32, #tpu.memory_space<vmem>>) semaphore(%arg7 : memref<!tpu.dma_semaphore, #tpu.memory_space<semaphore_mem>>)
    %dma_start3A_10 = arith.constant 1 : i32
    %dma_start3A_11 = arith.constant 128 : i32
    %dma_start3A_12 = arith.constant 0 : i32
    %dma_start3A_13 = tpu.memref_slice %arg6[%dma_start3A_11, %dma_start3A_12] : memref<256x64xf32, #tpu.memory_space<vmem>> -> memref<128x64xf32, #tpu.memory_space<vmem>>
    %dma_start3A_14 = arith.constant 0 : i32
    %dma_start3A_15 = tpu.memref_slice %arg5[%dma_start3A_10, %dma_start3A_14] : memref<2x128xi32, #tpu.memory_space<vmem>> -> memref<1x128xi32, #tpu.memory_space<vmem>>
    %dma_start3A_16 = tpu.memref_squeeze %dma_start3A_15 : memref<1x128xi32, #tpu.memory_space<vmem>> -> memref<128xi32, #tpu.memory_space<vmem>>
    %dma_start3A_17 = arith.constant 0 : i32
    %dma_start3A_18 = arith.constant 0 : i32
    %dma_start3A_19 = tpu.memref_slice %arg2[%dma_start3A_17, %dma_start3A_18] : memref<8192x64xf32, #tpu.memory_space<hbm>> -> memref<8192x64xf32, #tpu.memory_space<hbm>>
    tpu.enqueue_indirect_dma source(%dma_start3A_19 : memref<8192x64xf32, #tpu.memory_space<hbm>>) target(%dma_start3A_13 : memref<128x64xf32, #tpu.memory_space<vmem>>) offsets(%dma_start3A_16 : memref<128xi32, #tpu.memory_space<vmem>>) semaphore(%arg7 : memref<!tpu.dma_semaphore, #tpu.memory_space<semaphore_mem>>)
    %dma_wait3A = arith.constant 0 : i32
    %dma_wait3A_20 = arith.constant 0 : i32
    %dma_wait3A_21 = arith.constant 0 : i32
    %dma_wait3A_22 = tpu.memref_slice %arg6[%dma_wait3A_20, %dma_wait3A_21] : memref<256x64xf32, #tpu.memory_space<vmem>> -> memref<128x64xf32, #tpu.memory_space<vmem>>
    %dma_wait3A_23 = arith.constant 0 : i32
    %dma_wait3A_24 = tpu.memref_slice %arg5[%dma_wait3A, %dma_wait3A_23] : memref<2x128xi32, #tpu.memory_space<vmem>> -> memref<1x128xi32, #tpu.memory_space<vmem>>
    %dma_wait3A_25 = tpu.memref_squeeze %dma_wait3A_24 : memref<1x128xi32, #tpu.memory_space<vmem>> -> memref<128xi32, #tpu.memory_space<vmem>>
    %dma_wait3A_26 = arith.constant 0 : i32
    %dma_wait3A_27 = arith.constant 0 : i32
    %dma_wait3A_28 = tpu.memref_slice %arg2[%dma_wait3A_26, %dma_wait3A_27] : memref<8192x64xf32, #tpu.memory_space<hbm>> -> memref<8192x64xf32, #tpu.memory_space<hbm>>
    tpu.wait_indirect_dma semaphore(%arg7 : memref<!tpu.dma_semaphore, #tpu.memory_space<semaphore_mem>>) src(%dma_wait3A_28 : memref<8192x64xf32, #tpu.memory_space<hbm>>) dst(%dma_wait3A_22 : memref<128x64xf32, #tpu.memory_space<vmem>>)
    %dma_wait3A_29 = arith.constant 1 : i32
    %dma_wait3A_30 = arith.constant 128 : i32
    %dma_wait3A_31 = arith.constant 0 : i32
    %dma_wait3A_32 = tpu.memref_slice %arg6[%dma_wait3A_30, %dma_wait3A_31] : memref<256x64xf32, #tpu.memory_space<vmem>> -> memref<128x64xf32, #tpu.memory_space<vmem>>
    %dma_wait3A_33 = arith.constant 0 : i32
    %dma_wait3A_34 = tpu.memref_slice %arg5[%dma_wait3A_29, %dma_wait3A_33] : memref<2x128xi32, #tpu.memory_space<vmem>> -> memref<1x128xi32, #tpu.memory_space<vmem>>
    %dma_wait3A_35 = tpu.memref_squeeze %dma_wait3A_34 : memref<1x128xi32, #tpu.memory_space<vmem>> -> memref<128xi32, #tpu.memory_space<vmem>>
    %dma_wait3A_36 = arith.constant 0 : i32
    %dma_wait3A_37 = arith.constant 0 : i32
    %dma_wait3A_38 = tpu.memref_slice %arg2[%dma_wait3A_36, %dma_wait3A_37] : memref<8192x64xf32, #tpu.memory_space<hbm>> -> memref<8192x64xf32, #tpu.memory_space<hbm>>
    tpu.wait_indirect_dma semaphore(%arg7 : memref<!tpu.dma_semaphore, #tpu.memory_space<semaphore_mem>>) src(%dma_wait3A_38 : memref<8192x64xf32, #tpu.memory_space<hbm>>) dst(%dma_wait3A_32 : memref<128x64xf32, #tpu.memory_space<vmem>>)
    %mul3A_39 = arith.constant 256 : i32
    %mul3A_40 = arith.muli %add3A, %mul3A_39 : i32
    "tpu.region"() ({
      %run_scoped3A = tpu.sem_alloc : memref<!tpu.dma_semaphore, #tpu.memory_space<semaphore_mem>>
      %dma_start3A_41 = arith.constant 0 : i32
      %dma_start3A_42 = tpu.memref_slice %arg4[%mul3A_40, %dma_start3A_41] : memref<8192x64xf32, #tpu.memory_space<hbm>> -> memref<256x64xf32, #tpu.memory_space<hbm>>
      %dma_start3A_43 = arith.constant 0 : i32
      %dma_start3A_44 = tpu.memref_slice %arg4[%mul3A_40, %dma_start3A_43] : memref<8192x64xf32, #tpu.memory_space<hbm>> -> memref<256x64xf32, #tpu.memory_space<hbm>>
      tpu.enqueue_dma source(%arg6 : memref<256x64xf32, #tpu.memory_space<vmem>>) target(%dma_start3A_44 : memref<256x64xf32, #tpu.memory_space<hbm>>) target_semaphore(%run_scoped3A : memref<!tpu.dma_semaphore, #tpu.memory_space<semaphore_mem>>)
      %dma_wait3A_45 = arith.constant 0 : i32
      %dma_wait3A_46 = tpu.memref_slice %arg4[%mul3A_40, %dma_wait3A_45] : memref<8192x64xf32, #tpu.memory_space<hbm>> -> memref<256x64xf32, #tpu.memory_space<hbm>>
      %dma_wait3A_47 = arith.constant 0 : i32
      %dma_wait3A_48 = tpu.memref_slice %arg4[%mul3A_40, %dma_wait3A_47] : memref<8192x64xf32, #tpu.memory_space<hbm>> -> memref<256x64xf32, #tpu.memory_space<hbm>>
      tpu.wait_dma2 semaphore(%run_scoped3A : memref<!tpu.dma_semaphore, #tpu.memory_space<semaphore_mem>>) src(%arg6 : memref<256x64xf32, #tpu.memory_space<vmem>>) dst(%dma_wait3A_48 : memref<256x64xf32, #tpu.memory_space<hbm>>)
      tpu.yield
    }) : () -> ()
    return
  }
}

module attributes {stable_mosaic.version = 14 : i64} {
  func.func @_argmin_body(%arg0: i32, %arg1: memref<256x64xbf16, #tpu.memory_space<vmem>>, %arg2: memref<1x256xf32, #tpu.memory_space<vmem>>, %arg3: memref<8192x64xbf16, #tpu.memory_space<vmem>>, %arg4: memref<8192x1xf32, #tpu.memory_space<vmem>>, %arg5: memref<8192x1xf32, #tpu.memory_space<vmem>>, %arg6: memref<1x1x256xi32, #tpu.memory_space<vmem>>) attributes {dimension_semantics = [#tpu.dimension_semantics<arbitrary>], iteration_bounds = array<i64: 32>, scalar_prefetch = 0 : i64, scratch_operands = 0 : i64, tpu.core_type = #tpu.core_type<tc>, window_params = [{transform_indices = @transform_0, window_bounds = array<i64: 256, 64>}, {transform_indices = @transform_1, window_bounds = array<i64: 1, 256>}, {pipeline_mode = #tpu.pipeline_mode<synchronous>, transform_indices = @transform_2, window_bounds = array<i64: 8192, 64>}, {pipeline_mode = #tpu.pipeline_mode<synchronous>, transform_indices = @transform_3, window_bounds = array<i64: 8192, 1>}, {pipeline_mode = #tpu.pipeline_mode<synchronous>, transform_indices = @transform_4, window_bounds = array<i64: 8192, 1>}, {transform_indices = @transform_5, window_bounds = array<i64: 1, 1, 256>}]} {
    %get3A = arith.constant 0 : index
    %get3A_0 = arith.constant 0 : index
    %get3A_1 = vector.load %arg1[%get3A, %get3A_0] : memref<256x64xbf16, #tpu.memory_space<vmem>>, vector<256x64xbf16>
    %get3A_2 = arith.constant 0 : index
    %get3A_3 = arith.constant 0 : index
    %get3A_4 = vector.load %arg3[%get3A_2, %get3A_3] : memref<8192x64xbf16, #tpu.memory_space<vmem>>, vector<8192x64xbf16>
    %dot_general3A = arith.constant dense<0.000000e+00> : vector<8192x256xf32>
    %dot_general3A_5 = tpu.matmul %get3A_4, %get3A_1, %dot_general3A {dimension_numbers = #tpu.dot_dimension_numbers<[1], [1], [0], [0], [0, 0, 1, 0], [], []>, transpose_lhs_hint = false} : vector<8192x64xbf16>, vector<256x64xbf16>, vector<8192x256xf32> -> vector<8192x256xf32>
    %get3A_6 = arith.constant 0 : index
    %get3A_7 = arith.constant 0 : index
    %get3A_8 = vector.load %arg2[%get3A_6, %get3A_7] : memref<1x256xf32, #tpu.memory_space<vmem>>, vector<1x256xf32>
    %mul3A = arith.constant 2.000000e+00 : f32
    %mul3A_9 = vector.broadcast %mul3A : f32 to vector<8192x256xf32>
    %mul3A_10 = arith.mulf %mul3A_9, %dot_general3A_5 : vector<8192x256xf32>
    %sub3A = vector.broadcast %get3A_8 : vector<1x256xf32> to vector<8192x256xf32>
    %sub3A_11 = arith.subf %sub3A, %mul3A_10 : vector<8192x256xf32>
    %get3A_12 = arith.constant 0 : index
    %get3A_13 = arith.constant 0 : index
    %get3A_14 = vector.load %arg4[%get3A_12, %get3A_13] : memref<8192x1xf32, #tpu.memory_space<vmem>>, vector<8192x1xf32>
    %add3A = vector.broadcast %get3A_14 : vector<8192x1xf32> to vector<8192x256xf32>
    %add3A_15 = arith.addf %sub3A_11, %add3A : vector<8192x256xf32>
    %reduce_min3A = arith.constant dense<0x7F800000> : vector<256xf32>
    %reduce_min3A_16 = vector.multi_reduction <minimumf>, %add3A_15, %reduce_min3A [0] : vector<8192x256xf32> to vector<256xf32>
    %broadcast_in_dim3A = vector.shape_cast %reduce_min3A_16 : vector<256xf32> to vector<1x256xf32>
    %eq3A = vector.broadcast %broadcast_in_dim3A : vector<1x256xf32> to vector<8192x256xf32>
    %eq3A_17 = arith.cmpf oeq, %add3A_15, %eq3A : vector<8192x256xf32>
    %get3A_18 = arith.constant 0 : index
    %get3A_19 = arith.constant 0 : index
    %get3A_20 = vector.load %arg5[%get3A_18, %get3A_19] : memref<8192x1xf32, #tpu.memory_space<vmem>>, vector<8192x1xf32>
    %jit3A = arith.constant 8.192000e+03 : f32
    %broadcast_in_dim3A_21 = vector.shape_cast %get3A_20 : vector<8192x1xf32> to vector<8192x1xf32>
    %broadcast_in_dim3A_22 = vector.broadcast %broadcast_in_dim3A_21 : vector<8192x1xf32> to vector<8192x256xf32>
    %broadcast_in_dim3A_23 = vector.broadcast %jit3A : f32 to vector<8192x256xf32>
    %select_n3A = arith.select %eq3A_17, %broadcast_in_dim3A_22, %broadcast_in_dim3A_23 : vector<8192x256xi1>, vector<8192x256xf32>
    %reduce_min3A_24 = arith.constant dense<0x7F800000> : vector<256xf32>
    %reduce_min3A_25 = vector.multi_reduction <minimumf>, %select_n3A, %reduce_min3A_24 [0] : vector<8192x256xf32> to vector<256xf32>
    %convert_element_type3A = arith.fptosi %reduce_min3A_25 : vector<256xf32> to vector<256xi32>
    %swap3A = arith.constant 0 : index
    %swap3A_26 = arith.constant 0 : index
    %swap3A_27 = arith.constant 0 : index
    %swap3A_28 = vector.load %arg6[%swap3A, %swap3A_26, %swap3A_27] : memref<1x1x256xi32, #tpu.memory_space<vmem>>, vector<1x1x256xi32>
    %swap3A_29 = vector.shape_cast %swap3A_28 : vector<1x1x256xi32> to vector<256xi32>
    %swap3A_30 = vector.shape_cast %convert_element_type3A : vector<256xi32> to vector<1x1x256xi32>
    tpu.vector_store %arg6[%swap3A, %swap3A_26, %swap3A_27], %swap3A_30 {strides = array<i32>} : memref<1x1x256xi32, #tpu.memory_space<vmem>>, vector<1x1x256xi32>,
    return
  }
  func.func @transform_0(%arg0: i32) -> (i32, i32) {
    %c0_i32 = arith.constant 0 : i32
    %c0_i32_0 = arith.constant 0 : i32
    return %arg0, %c0_i32 : i32, i32
  }
  func.func @transform_1(%arg0: i32) -> (i32, i32) {
    %c0_i32 = arith.constant 0 : i32
    %c0_i32_0 = arith.constant 0 : i32
    return %c0_i32, %arg0 : i32, i32
  }
  func.func @transform_2(%arg0: i32) -> (i32, i32) {
    %c0_i32 = arith.constant 0 : i32
    %c0_i32_0 = arith.constant 0 : i32
    %c0_i32_1 = arith.constant 0 : i32
    return %c0_i32, %c0_i32_0 : i32, i32
  }
  func.func @transform_3(%arg0: i32) -> (i32, i32) {
    %c0_i32 = arith.constant 0 : i32
    %c0_i32_0 = arith.constant 0 : i32
    %c0_i32_1 = arith.constant 0 : i32
    return %c0_i32, %c0_i32_0 : i32, i32
  }
  func.func @transform_4(%arg0: i32) -> (i32, i32) {
    %c0_i32 = arith.constant 0 : i32
    %c0_i32_0 = arith.constant 0 : i32
    %c0_i32_1 = arith.constant 0 : i32
    return %c0_i32, %c0_i32_0 : i32, i32
  }
  func.func @transform_5(%arg0: i32) -> (i32, i32, i32) {
    %c0_i32 = arith.constant 0 : i32
    %c0_i32_0 = arith.constant 0 : i32
    %c0_i32_1 = arith.constant 0 : i32
    return %arg0, %c0_i32, %c0_i32_0 : i32, i32, i32
  }
}

module attributes {stable_mosaic.version = 14 : i64} {
  func.func @_prep_body(%arg0: i32, %arg1: memref<8192x64xf32, #tpu.memory_space<vmem>>, %arg2: memref<8192x64xf32, #tpu.memory_space<vmem>>, %arg3: memref<8192x64xbf16, #tpu.memory_space<vmem>>, %arg4: memref<8192x1xf32, #tpu.memory_space<vmem>>, %arg5: memref<8192x1xf32, #tpu.memory_space<vmem>>, %arg6: memref<1x8192xf32, #tpu.memory_space<vmem>>, %arg7: memref<8192x64xbf16, #tpu.memory_space<vmem>>) attributes {dimension_semantics = [#tpu.dimension_semantics<arbitrary>], iteration_bounds = array<i64: 1>, scalar_prefetch = 0 : i64, scratch_operands = 0 : i64, tpu.core_type = #tpu.core_type<tc>, window_params = [{pipeline_mode = #tpu.pipeline_mode<synchronous>, transform_indices = @transform_0, window_bounds = array<i64: 8192, 64>}, {pipeline_mode = #tpu.pipeline_mode<synchronous>, transform_indices = @transform_1, window_bounds = array<i64: 8192, 64>}, {pipeline_mode = #tpu.pipeline_mode<synchronous>, transform_indices = @transform_2, window_bounds = array<i64: 8192, 64>}, {pipeline_mode = #tpu.pipeline_mode<synchronous>, transform_indices = @transform_3, window_bounds = array<i64: 8192, 1>}, {pipeline_mode = #tpu.pipeline_mode<synchronous>, transform_indices = @transform_4, window_bounds = array<i64: 8192, 1>}, {pipeline_mode = #tpu.pipeline_mode<synchronous>, transform_indices = @transform_5, window_bounds = array<i64: 1, 8192>}, {pipeline_mode = #tpu.pipeline_mode<synchronous>, transform_indices = @transform_6, window_bounds = array<i64: 8192, 64>}]} {
    %get3A = arith.constant 0 : index
    %get3A_0 = arith.constant 0 : index
    %get3A_1 = vector.load %arg2[%get3A, %get3A_0] : memref<8192x64xf32, #tpu.memory_space<vmem>>, vector<8192x64xf32>
    %convert_element_type3A = arith.truncf %get3A_1 : vector<8192x64xf32> to vector<8192x64xbf16>
    %swap3A = arith.constant 0 : index
    %swap3A_2 = arith.constant 0 : index
    %swap3A_3 = vector.load %arg3[%swap3A, %swap3A_2] : memref<8192x64xbf16, #tpu.memory_space<vmem>>, vector<8192x64xbf16>
    tpu.vector_store %arg3[%swap3A, %swap3A_2], %convert_element_type3A {strides = array<i32>} : memref<8192x64xbf16, #tpu.memory_space<vmem>>, vector<8192x64xbf16>,
    %mul3A = arith.mulf %get3A_1, %get3A_1 : vector<8192x64xf32>
    %reduce_sum3A = arith.constant dense<0.000000e+00> : vector<8192xf32>
    %reduce_sum3A_4 = vector.multi_reduction <add>, %mul3A, %reduce_sum3A [1] : vector<8192x64xf32> to vector<8192xf32>
    %broadcast_in_dim3A = vector.shape_cast %reduce_sum3A_4 : vector<8192xf32> to vector<8192x1xf32>
    %swap3A_5 = arith.constant 0 : index
    %swap3A_6 = arith.constant 0 : index
    %swap3A_7 = vector.load %arg4[%swap3A_5, %swap3A_6] : memref<8192x1xf32, #tpu.memory_space<vmem>>, vector<8192x1xf32>
    tpu.vector_store %arg4[%swap3A_5, %swap3A_6], %broadcast_in_dim3A {strides = array<i32>} : memref<8192x1xf32, #tpu.memory_space<vmem>>, vector<8192x1xf32>,
    %iota3A = tpu.iota {dimensions = array<i32: 0>} : vector<8192x1xi32>
    %convert_element_type3A_8 = arith.sitofp %iota3A : vector<8192x1xi32> to vector<8192x1xf32>
    %swap3A_9 = arith.constant 0 : index
    %swap3A_10 = arith.constant 0 : index
    %swap3A_11 = vector.load %arg5[%swap3A_9, %swap3A_10] : memref<8192x1xf32, #tpu.memory_space<vmem>>, vector<8192x1xf32>
    tpu.vector_store %arg5[%swap3A_9, %swap3A_10], %convert_element_type3A_8 {strides = array<i32>} : memref<8192x1xf32, #tpu.memory_space<vmem>>, vector<8192x1xf32>,
    %get3A_12 = arith.constant 0 : index
    %get3A_13 = arith.constant 0 : index
    %get3A_14 = vector.load %arg1[%get3A_12, %get3A_13] : memref<8192x64xf32, #tpu.memory_space<vmem>>, vector<8192x64xf32>
    %mul3A_15 = arith.mulf %get3A_14, %get3A_14 : vector<8192x64xf32>
    %reduce_sum3A_16 = arith.constant dense<0.000000e+00> : vector<8192xf32>
    %reduce_sum3A_17 = vector.multi_reduction <add>, %mul3A_15, %reduce_sum3A_16 [1] : vector<8192x64xf32> to vector<8192xf32>
    %broadcast_in_dim3A_18 = vector.shape_cast %reduce_sum3A_17 : vector<8192xf32> to vector<1x8192xf32>
    %swap3A_19 = arith.constant 0 : index
    %swap3A_20 = arith.constant 0 : index
    %swap3A_21 = vector.load %arg6[%swap3A_19, %swap3A_20] : memref<1x8192xf32, #tpu.memory_space<vmem>>, vector<1x8192xf32>
    tpu.vector_store %arg6[%swap3A_19, %swap3A_20], %broadcast_in_dim3A_18 {strides = array<i32>} : memref<1x8192xf32, #tpu.memory_space<vmem>>, vector<1x8192xf32>,
    %convert_element_type3A_22 = arith.truncf %get3A_14 : vector<8192x64xf32> to vector<8192x64xbf16>
    %swap3A_23 = arith.constant 0 : index
    %swap3A_24 = arith.constant 0 : index
    %swap3A_25 = vector.load %arg7[%swap3A_23, %swap3A_24] : memref<8192x64xbf16, #tpu.memory_space<vmem>>, vector<8192x64xbf16>
    tpu.vector_store %arg7[%swap3A_23, %swap3A_24], %convert_element_type3A_22 {strides = array<i32>} : memref<8192x64xbf16, #tpu.memory_space<vmem>>, vector<8192x64xbf16>,
    return
  }
  func.func @transform_0(%arg0: i32) -> (i32, i32) {
    %c0_i32 = arith.constant 0 : i32
    %c0_i32_0 = arith.constant 0 : i32
    %c0_i32_1 = arith.constant 0 : i32
    return %c0_i32, %c0_i32_0 : i32, i32
  }
  func.func @transform_1(%arg0: i32) -> (i32, i32) {
    %c0_i32 = arith.constant 0 : i32
    %c0_i32_0 = arith.constant 0 : i32
    %c0_i32_1 = arith.constant 0 : i32
    return %c0_i32, %c0_i32_0 : i32, i32
  }
  func.func @transform_2(%arg0: i32) -> (i32, i32) {
    %c0_i32 = arith.constant 0 : i32
    %c0_i32_0 = arith.constant 0 : i32
    %c0_i32_1 = arith.constant 0 : i32
    return %c0_i32, %c0_i32_0 : i32, i32
  }
  func.func @transform_3(%arg0: i32) -> (i32, i32) {
    %c0_i32 = arith.constant 0 : i32
    %c0_i32_0 = arith.constant 0 : i32
    %c0_i32_1 = arith.constant 0 : i32
    return %c0_i32, %c0_i32_0 : i32, i32
  }
  func.func @transform_4(%arg0: i32) -> (i32, i32) {
    %c0_i32 = arith.constant 0 : i32
    %c0_i32_0 = arith.constant 0 : i32
    %c0_i32_1 = arith.constant 0 : i32
    return %c0_i32, %c0_i32_0 : i32, i32
  }
  func.func @transform_5(%arg0: i32) -> (i32, i32) {
    %c0_i32 = arith.constant 0 : i32
    %c0_i32_0 = arith.constant 0 : i32
    %c0_i32_1 = arith.constant 0 : i32
    return %c0_i32, %c0_i32_0 : i32, i32
  }
  func.func @transform_6(%arg0: i32) -> (i32, i32) {
    %c0_i32 = arith.constant 0 : i32
    %c0_i32_0 = arith.constant 0 : i32
    %c0_i32_1 = arith.constant 0 : i32
    return %c0_i32, %c0_i32_0 : i32, i32
  }
}

</mosaic_0001>

<sc_bundles>
// kernel: kernel.5.cloned.1.call-start
scs
__scs_entry_jumppad:
0x0: {  	(pc) =	sbr.rel $0x88, $3  }
0x1: {  	(tag) =	ssettag $0x0;
	lr =	simm.s32 $0x1  }
0x2: {  	[smem:$0x3F9F] =	sst lr;
	_ =	strace $0xD0000000  }
0x3: {  	_ = 	snop  }
0x4: {  	_ = 	snop  }
0x5: {  	_ = 	snop  }
0x6: {  	_ = 	snop  }
0x7: {  	_ = 	snop  }
__scs_overlays_trampoline_lowered:
0x8: {  	[smem:$0x3FAE] =	sst s0  }
0x9: {  	[smem:$0x3FAF] =	sst s1  }
0xa: {  	[smem:$0x3FB0] =	sst s2  }
0xb: {  	[smem:$0x3FB1] =	sst s3  }
0xc: {  	[smem:$0x3FB2] =	sst s4  }
0xd: {  	[smem:$0x3FB3] =	sst s5  }
0xe: {  	[smem:$0x3FB4] =	sst s6  }
0xf: {  	[smem:$0x3FB5] =	sst s7  }
0x10: {  	[smem:$0x3FB6] =	sst s8  }
0x11: {  	[smem:$0x3FB7] =	sst s9;
	s0 =	simm.s32 @!p0 $0x0  }
0x12: {  	s1 =	sld [smem:$0x3F9D];
	s0 =	simm.s32 @p0 $0x1  }
0x13: {  	[smem:$0x3FB8] =	sst s0;
	s0 =	simm.s32 @!p1 $0x0  }
0x14: {  	s2 =	sld [smem:$0x3F9C];
	s0 =	simm.s32 @p1 $0x1  }
0x15: {  	[smem:$0x3FB9] =	sst s0;
	s0 =	simm.s32 @!p2 $0x0  }
0x16: {  	s3 =	sld [smem:$0x3FDB];
	s0 =	simm.s32 @p2 $0x1  }
0x17: {  	s4 =	simm.s32 $0x1BF5;
	[smem:$0x3FBB] =	sst s0  }
0x18: {  	s0 =	sld [smem:$0x3F9E];
	_ =	swait.ge [sflag:s4], $0x0  }
0x19: {  	s7 =	sld [smem:$0x3F9F]  }
0x1a: {  	s8 =	sadd.s32 $0xFFFFE003, lr  }
0x1b: {  	s9 =	sadd.s32 $0xFFFFFEF7, lr;
	s5 =	simm.s32 $0xFFFFFFFF;
	p2 =	slt.u32 s8, $0xFFFFF086  }
0x1c: {  	p1 =	slt.u32 s9, $0xF7A;
	s5 =	simm.s32 @!p2 $0x0  }
0x1d: {  	s5 =	simm.s32 @p1 $0x1;
	p0 =	seq.s32 s7, s2  }
0x1e: {  	s7 =	smul.u32 @!p0 $0xF7A, s2;
	p2 =	seq.s32 @!p0 s5, $0x0  }
0x1f: {  	s9 =	smul.u32 $0xF7A, s1;
	s8 =	simm.s32 @!p0 $0x1BF5;
	p2 =	por !p2, p0  }
0x20: {  	[sflag:s8] =	ssyncset.s32 @!p0 $0xFFFFF086;
	s6 =	sadd.s32 @!p0 s3, s7;
	s7 =	simm.s32 @!p0 $0x108  }
0x21: {  	s3 =	sadd.s32 s3, s9;
	s6 =	sadd.s32 @!p0 $0x88, s6;
	s7 =	simm.s32 @p2 $0x1082  }
0x22: {  	[simem:s7], [sflag:s8] =	dma.local @!p0 [hbm:s6], $0xF7A  }
0x23: {  	s9 =	sor.u32 $0xD0000000, s2;
	s6 =	simm.s32 $0x108;
	_ =	swait.ge @!p0 [sflag:s8], $0x0  }
0x24: {  	s3 =	sadd.s32 $0x88, s3;
	s6 =	simm.s32 @!p1 $0x1082;
	[sflag:s4] =	ssyncset.s32 $0xFFFFF086  }
0x25: {  	[simem:s6], [sflag:s4] =	dma.local [hbm:s3], $0xF7A  }
0x26: {  	[smem:$0x3F9F] =	sst s1;
	(tag) =	ssettag s2;
	_ =	strace s9  }
0x27: {  	s1 =	sld [smem:$0x3FAF]  }
0x28: {  	s2 =	sld [smem:$0x3FB0]  }
0x29: {  	s4 =	sld [smem:$0x3FB2]  }
0x2a: {  	p0 =	seq.s32 s5, $0x0;
	s5 =	sld [smem:$0x3FB3]  }
0x2b: {  	s6 =	sld [smem:$0x3FB4]  }
0x2c: {  	s7 =	sld [smem:$0x3FB5]  }
0x2d: {  	s3 =	simm.s32 $0x108;
	s8 =	sld [smem:$0x3FB6]  }
0x2e: {  	s3 =	simm.s32 @!p0 $0x1082;
	s9 =	sld [smem:$0x3FB7]  }
0x2f: {  	lr =	sadd.s32 s0, s3;
	s0 =	sld [smem:$0x3FAE]  }
0x30: {  	s3 =	sld [smem:$0x3FB1]  }
0x31: {  	[smem:$0x3FBA] =	sst s10  }
0x32: {  	s10 =	sld [smem:$0x3FB8];
	_ =	sdelay $0x3  }
0x33: {  	p0 =	seq.s32 s10, $0x1;
	s10 =	sld [smem:$0x3FBA];
	_ =	sdelay $0x3  }
0x34: {  	[smem:$0x3FBA] =	sst s10  }
0x35: {  	s10 =	sld [smem:$0x3FB9];
	_ =	sdelay $0x3  }
0x36: {  	p1 =	seq.s32 s10, $0x1;
	s10 =	sld [smem:$0x3FBA];
	_ =	sdelay $0x3  }
0x37: {  	[smem:$0x3FBA] =	sst s10  }
0x38: {  	s10 =	sld [smem:$0x3FBB]  }
0x39: {  	_ = 	snop;
	(pc) =	sbr.ind lr, $3  }
0x3a: {  	_ = 	snop  }
0x3b: {  	_ = 	snop  }
0x3c: {  	p2 =	seq.s32 s10, $0x1;
	s10 =	sld [smem:$0x3FBA]  }
0x3d: {  	_ =	shalt  }
0x3e: {  	_ =	shalt  }
0x3f: {  	_ =	shalt  }
0x40: {  	_ =	shalt  }
0x41: {  	_ =	shalt  }
0x42: {  	_ =	shalt  }
0x43: {  	_ =	shalt  }
0x44: {  	_ =	shalt  }
0x45: {  	_ =	shalt  }
0x46: {  	_ =	shalt  }
0x47: {  	_ =	shalt  }
0x48: {  	_ =	shalt  }
0x49: {  	_ =	shalt  }
0x4a: {  	_ =	shalt  }
0x4b: {  	_ =	shalt  }
0x4c: {  	_ =	shalt  }
0x4d: {  	_ =	shalt  }
0x4e: {  	_ =	shalt  }
0x4f: {  	_ =	shalt  }
0x50: {  	_ =	shalt  }
0x51: {  	_ =	shalt  }
0x52: {  	_ =	shalt  }
0x53: {  	_ =	shalt  }
0x54: {  	_ =	shalt  }
0x55: {  	_ =	shalt  }
0x56: {  	_ =	shalt  }
0x57: {  	_ =	shalt  }
0x58: {  	_ =	shalt  }
0x59: {  	_ =	shalt  }
0x5a: {  	_ =	shalt  }
0x5b: {  	_ =	shalt  }
0x5c: {  	_ =	shalt  }
0x5d: {  	_ =	shalt  }
0x5e: {  	_ =	shalt  }
0x5f: {  	_ =	shalt  }
0x60: {  	_ =	shalt  }
0x61: {  	_ =	shalt  }
0x62: {  	_ =	shalt  }
0x63: {  	_ =	shalt  }
0x64: {  	_ =	shalt  }
0x65: {  	_ =	shalt  }
0x66: {  	_ =	shalt  }
0x67: {  	_ =	shalt  }
0x68: {  	_ =	shalt  }
0x69: {  	_ =	shalt  }
0x6a: {  	_ =	shalt  }
0x6b: {  	_ =	shalt  }
0x6c: {  	_ =	shalt  }
0x6d: {  	_ =	shalt  }
0x6e: {  	_ =	shalt  }
0x6f: {  	_ =	shalt  }
0x70: {  	_ =	shalt  }
0x71: {  	_ =	shalt  }
0x72: {  	_ =	shalt  }
0x73: {  	_ =	shalt  }
0x74: {  	_ =	shalt  }
0x75: {  	_ =	shalt  }
0x76: {  	_ =	shalt  }
0x77: {  	_ =	shalt  }
0x78: {  	_ =	shalt  }
0x79: {  	_ =	shalt  }
0x7a: {  	_ =	shalt  }
0x7b: {  	_ =	shalt  }
0x7c: {  	_ =	shalt  }
0x7d: {  	_ =	shalt  }
0x7e: {  	_ =	shalt  }
0x7f: {  	_ =	shalt  }
0x80: {  	_ =	shalt  }
0x81: {  	_ =	shalt  }
0x82: {  	_ =	shalt  }
0x83: {  	_ =	shalt  }
0x84: {  	_ =	shalt  }
0x85: {  	_ =	shalt  }
0x86: {  	_ =	shalt  }
0x87: {  	_ =	shalt  }
.Lfunc_end0:
.L_simem_size_0:
called_computation_lowered:
.L_overlay_start_0:
0x88: {  	s2 =	sld [smem:$0x3FD9]  }
0x89: {  	s3 =	sld [smem:$0x3FFE];
	_ =	sdelay $0x1  }
0x8a: {  	s1 =	srdreg.scid  }
0x8b: {  	s0 =	sand.u32 $0x1, s1  }
0x8c: {  	s17 =	sshll.u32 s0, $0xA;
	s2 =	sadd.s32 s3, s2  }
0x8d: {  	s2 =	sadd.s32 s2, s17  }
0x8e: {  	[smem:$0x3FC6] =	sst s2  }
0x8f: {  	_ = 	snop  }
0x90: {  	s2 =	sld [smem:$0x3FD0];
	(tm) =	ssettm $0x1  }
0x91: {  	s18 =	sld [smem:$0x3FFB];
	_ =	sdelay $0x3  }
0x92: {  	_ =	strace s18  }
0x93: {  	s3 =	sld [smem:$0x3FFC];
	_ =	sdelay $0x3  }
0x94: {  	_ =	strace s3  }
0x95: {  	s3 =	sld [smem:$0x3FFD];
	_ =	sdelay $0x3  }
0x96: {  	_ =	strace s3  }
0x97: {  	_ =	strace $0x8FFFFFFF  }
0x98: {  	s19 =	sld [smem:$0x3FDB];
	_ =	sdelay $0x1  }
0x99: {  	s4 =	simm.s32 $_scs_section_size  }
0x9a: {  	s5 =	simm.s32 $_size__tile_overlayer_lowered;
	s6 =	simm.s32 $_tile_overlayer_lowered  }
0x9b: {  	s22 =	simm.s32 $0x1BFF;
	s21 =	sshll.u32 s6, $0x1;
	s3 =	sadd.s32 s4, s19  }
0x9c: {  	s7 =	simm.s32 $0x0;
	s20 =	sshll.u32 s5, $0x1;
	s5 =	sadd.s32 s21, s3  }
0x9d: {  	[timem:s7], [sflag:s22] =	dma.local [hbm:s5], s20  }
0x9e: {  	_ =	swait.ge [sflag:s22], s20  }
0x9f: {  	s4 =	ssub.s32 $0x0, s20;
	[sflag:s22] =	ssyncset.done $0x0  }
0xa0: {  	[sflag:s22] =	ssyncadd.s32 s4;
	_ =	sdelay $0x1  }
0xa1: {  	s23 =	simm.s32 $0x1B8B  }
0xa2: {  	_ =	swait.ge [sflag:s23], $0x1  }
0xa3: {  	[sflag:s23] =	ssyncset.done $0x0  }
0xa4: {  	s25 =	simm.s32 $0x1B8E;
	s24 =	sld [smem:$0x3FFE];
	[sflag:s23] =	ssyncadd.s32 $0xFFFFFFFF  }
0xa5: {  	s26 =	simm.s32 $execute0_lowered;
	[smem:$0x3FD2] =	sst s25  }
0xa6: {  	s5 =	sshll.u32 s26, $0x1;
	_ =	strace $0x80000046;
	[dreg:$0x1] =	wrdreg $0xFFFFFFFF  }
0xa7: {  	s28 =	simm.s32 $_size_execute0_lowered;
	s3 =	sadd.s32 s3, s5;
	[dreg:$0x0] =	wrdreg $0x0  }
0xa8: {  	s5 =	sshll.u32 s28, $0x1;
	[dreg:$0x2] =	wrdreg s3  }
0xa9: {  	[dreg:$0x3] =	wrdreg s5  }
0xaa: {  	[dreg:$0x4] =	wrdreg $0xC0  }
0xab: {  	_ =	task [dreg:s7], $0x5FFFF  }
0xac: {  	[dreg:$0x1] =	wrdreg $0xFFFFFFFF  }
0xad: {  	[dreg:$0x0] =	wrdreg $0x60  }
0xae: {  	[dreg:$0x2] =	wrdreg s2  }
0xaf: {  	[dreg:$0x3] =	wrdreg s24  }
0xb0: {  	[dreg:$0x4] =	wrdreg $0x9  }
0xb1: {  	_ =	task.clear_ibuf [dreg:s7], $0x5FFFF;
	_ =	strace $0x90000046  }
0xb2: {  	s29 =	simm.s32 $0x9;
	_ =	strace $0x80000048  }
0xb3: {  	_ =	swait.ge [sflag:s29], $0x1  }
0xb4: {  	[sflag:s29] =	ssyncadd.s32 $0xFFFFFFFF  }
0xb5: {  	_ =	strace $0x90000048  }
0xb6: {  	_ =	sfence  }
0xb7: {  	s30 =	sld [smem:$0x0];
	_ =	sdelay $0x2  }
0xb8: {  	s31 =	sshll.u32 s1, $0xD;
	s1 =	sshrl.u32 s1, $0x2  }
0xb9: {  	s3 =	sand.u32 $0x4000, s31;
	s1 =	sadd.s32 s1, s30  }
0xba: {  	s0 =	sor.u32 s3, s0;
	s1 =	sshll.u32 s1, $0x11  }
0xbb: {  	s0 =	sor.u32 s1, s0  }
0xbc: {  	s0 =	sadd.s32 $0x8F2B, s0  }
0xbd: {  	[sflag:s0] =	ssyncadd.remote.s32 $0x1  }
0xbe: {  	_ =	sfence.sel $0xFFFF  }
0xbf: {  	[dreg:$0x0] =	wrdreg $0xFFFFFFFF;
	(pc) =	sbr.abs _section_cstart, $3  }
0xc0: {  	[dreg:$0x1] =	wrdreg $0xFFFFFFFF  }
0xc1: {  	_ =	task.clear_ibuf [dreg:s7], $0x2FFFF;
	_ =	strace $0x9FFFFFFF  }
0xc2: {  	(tm) =	ssettm $0x7FFFFFFF  }
0xc3: {  	_ =	shalt  }
tec
execute0_lowered:
.L_overlay_start_1:
0x0: {  	(tag) =	ssettag $0x1  }
0x1: {  	s1 =	srdreg.scid  }
0x2: {  	s0 =	stileid.u32;
	s10 =	sand.u32 $0x1, s1  }
0x3: {  	s2 =	rddreg [dreg:$0x0];
	s29 =	sshll.u32 s0, $0x9;
	s3 =	sshll.u32 s10, $0x8  }
0x4: {  	s11 =	rddreg [dreg:$0x1];
	s12 =	sor.u32 s3, s29  }
0x5: {  	s1 =	rddreg [dreg:$0x2];
	s3 =	simm.s32 $0x0;
	s4 =	sshrl.u32 s12, $0x3  }
0x6: {  	[smem:$0x7FF] =	sst s3;
	s4 =	sadd.s32 s4, s11  }
0x7: {  	_ =	strace $0x80000047;
	s5 =	sadd.s32 $0xA00, s4;
	s4 =	simm.s32 $0x2  }
0x8: {  	[tilespmem:s3], [sflag:$0x2] =	stream.linear.gather [hbm4b:s5+s3], $0x100, $0x38;
	[tilespmem:$0x4100] =	vst v63  }
0x9: {  	_ =	swait.ge [sflag:s4], $0x100  }
0xa: {  	[sflag:s4] =	ssyncset.done $0x0  }
0xb: {  	s6 =	simm.s32 $0x80;
	s7 =	simm.s32 $0x100;
	[sflag:s4] =	ssyncadd.s32 $0xFFFFFF00  }
0xc: {  	[tilespmem:s7], [sflag:$0x1] =	stream.indirect.gather [hbm4b:s2+s6], $0x40, s3, s6, $0xb8;
	[tilespmem:$0x4100] =	vst v63  }
0xd: {  	s8 =	simm.s32 $0x2100;
	s9 =	simm.s32 $0x1;
	s10 =	ssub.s32 $0x2, s10  }
0xe: {  	[tilespmem:s8], [sflag:$0x1] =	stream.indirect.gather [hbm4b:s2+s6], $0x40, s6, s6, $0xb8;
	[tilespmem:$0x4100] =	vst v63  }
0xf: {  	s13 =	sshrl.u32 s10, $0x1;
	_ =	swait.ge [sflag:s9], $0x2000  }
0x10: {  	s30 =	ssub.s32 s10, s13;
	[sflag:s9] =	ssyncset.done $0x0  }
0x11: {  	s31 =	smax.u32 s30, $0x1;
	[sflag:s9] =	ssyncadd.s32 $0xFFFFE000  }
0x12: {  	s12 =	sshll.u32 s12, $0x3;
	p0 =	sne.s32 s31, $0x1;
	_ =	swait.ge [sflag:s9], $0x2000  }
.Ltmp0:
0x13: {  	s11 =	sadd.s32 s12, s11;
	[sflag:s9] =	ssyncset.done $0x0;
	(pc) =	sbr.rel @!p0 .LBB2_2-.Ltmp0, $4  }
0x14: {  	s10 =	sadd.s32 $0xE00, s11;
	[sflag:s9] =	ssyncadd.s32 $0xFFFFE000  }
0x15: {  	[hbm4b:s10+s3] =	stream.linear.scatter [tilespmem:s7], [sflag:$0x2], $0x4000, $0x38;
	[tilespmem:$0x4100] =	vst v63  }
0x16: {  	_ =	swait.ge [sflag:s4], $0x4000  }
0x17: {  	s11 =	sadd.s32 $0xFFFFFFFF, s31;
	[sflag:s4] =	ssyncset.done $0x0  }
.LBB2_1:
0x18: {  	p0 =	sne.s32 s11, $0x1;
	s11 =	sadd.s32 $0xFFFFFFFF, s11;
	[sflag:s4] =	ssyncadd.s32 $0xFFFFC000  }
0x19: {  	[tilespmem:s3], [sflag:$0x2] =	stream.linear.gather [hbm4b:s5+s3], $0x100, $0x38;
	[tilespmem:$0x4100] =	vst v63  }
0x1a: {  	_ =	swait.ge [sflag:s4], $0x100  }
0x1b: {  	[sflag:s4] =	ssyncset.done $0x0  }
0x1c: {  	[sflag:s4] =	ssyncadd.s32 $0xFFFFFF00  }
0x1d: {  	[tilespmem:s7], [sflag:$0x1] =	stream.indirect.gather [hbm4b:s2+s6], $0x40, s3, s6, $0xb8;
	[tilespmem:$0x4100] =	vst v63  }
0x1e: {  	_ = 	snop  }
0x1f: {  	[tilespmem:s8], [sflag:$0x1] =	stream.indirect.gather [hbm4b:s2+s6], $0x40, s6, s6, $0xb8;
	[tilespmem:$0x4100] =	vst v63  }
0x20: {  	_ =	swait.ge [sflag:s9], $0x2000  }
0x21: {  	[sflag:s9] =	ssyncset.done $0x0  }
0x22: {  	[sflag:s9] =	ssyncadd.s32 $0xFFFFE000  }
0x23: {  	_ =	swait.ge [sflag:s9], $0x2000  }
.Ltmp1:
0x24: {  	[sflag:s9] =	ssyncset.done $0x0;
	(pc) =	sbr.rel @p0 .LBB2_1-.Ltmp1, $4  }
0x25: {  	[sflag:s9] =	ssyncadd.s32 $0xFFFFE000  }
0x26: {  	[hbm4b:s10+s3] =	stream.linear.scatter [tilespmem:s7], [sflag:$0x2], $0x4000, $0x38;
	[tilespmem:$0x4100] =	vst v63  }
0x27: {  	_ =	swait.ge [sflag:s4], $0x4000  }
0x28: {  	[sflag:s4] =	ssyncset.done $0x0  }
.LBB2_2:
0x29: {  	[sflag:s4] =	ssyncadd.s32 $0xFFFFC000  }
0x2a: {  	_ =	sfence.sel $0x180000  }
0x2b: {  	[bflag:$0x0] =	sbarrier.arrive $0xFFFF  }
0x2c: {  	p0 =	sne.s32 s0, $0x0;
	_ =	strace $0x90000047  }
0x2d: {  	s0 =	sadd.s32 @!p0 $0x100000, s1;
	[bflag:$0x2] =	sbarrier.arrive $0xFFFF  }
0x2e: {  	[sflag:s0] =	ssyncadd.tile.s32 @!p0 $0x1;
	_ =	shalt  }
.Lfunc_end2:
_tile_overlayer_lowered:
.L_overlay_start_2:
0x2f: {  	(tag) =	ssettag $0x2  }
0x30: {  	s0 =	rddreg [dreg:$0x0];
	s2 =	stileid.u32  }
0x31: {  	s1 =	rddreg [dreg:$0x1];
	p0 =	sne.s32 s2, $0x0  }
0x32: {  	s3 =	rddreg [dreg:$0x2];
	[bflag:$0x3] =	sbarrier.arrive $0xFFFF;
	s2 =	simm.s32 @!p0 $0x1C02  }
0x33: {  	[timem:s3], [sflag:s2] =	dma.local @!p0 [hbm:s0], s1  }
0x34: {  	s0 =	simm.s32 @!p0 $0x2  }
0x35: {  	_ =	swait.ge @!p0 [sflag:s0], s1  }
0x36: {  	s1 =	ssub.s32 @!p0 $0x0, s1;
	[sflag:s0] =	ssyncset.done @!p0 $0x0  }
0x37: {  	[sflag:s0] =	ssyncadd.s32 @!p0 s1  }
0x38: {  	[bflag:$0x3] =	sbarrier.arrive $0xFFFF  }
0x39: {  	_ =	shalt  }

</sc_bundles>
